<compile_context>
chip_gen: v7x
topology: tpu7x:2x2x1
jax: 0.10.2.dev20260603
libtpu: 0.0.44.dev20260713+nightly
codegen_flags: <defaults>
</compile_context>

<pallas_src>
import functools

import jax
import jax.numpy as jnp
from jax import lax
from jax.experimental import pallas as pl
from jax.experimental.pallas import tpu as pltpu

TEMP_INV = 10.0
DECAY = 0.95
EPS = 1e-12
M_BLK = 2048
N_SHARD = 8


def _query_kernel(h_ref, w_ref, q_ref, qs_ref):
    q = lax.dot_general(h_ref[:], w_ref[:], (((1,), (1,)), ((), ())),
                        preferred_element_type=jnp.float32)
    q_ref[:] = q
    n = jnp.sqrt(jnp.sum(q * q, axis=1, keepdims=True))
    qs_ref[:] = (q / jnp.maximum(n, EPS)) * TEMP_INV


def _row_norm(k):
    n = jnp.sqrt(jnp.sum(k * k, axis=1, keepdims=True))
    return k / jnp.maximum(n, EPS)


def _rowsum_kernel(qs_ref, k_ref, m_ref, linv_ref, acc_ref, *, M, blk):
    i = pl.program_id(0)
    kn = _row_norm(k_ref[:])
    s = lax.dot_general(qs_ref[:], kn, (((1,), (1,)), ((), ())),
                        preferred_element_type=jnp.float32)
    col = i * blk + lax.broadcasted_iota(jnp.int32, (1, blk), 1)
    wm = (m_ref[:] > 0.0) & (col < M)
    e = jnp.where(wm, jnp.exp(s), 0.0)
    r = jnp.sum(e, axis=1, keepdims=True)

    @pl.when(i == 0)
    def _():
        acc_ref[:] = r

    @pl.when(i > 0)
    def _():
        acc_ref[:] = acc_ref[:] + r

    @pl.when(i == pl.num_programs(0) - 1)
    def _():
        linv_ref[:] = 1.0 / acc_ref[:]


def _attn_kernel(qs_ref, linv_ref, k_ref, v_ref, m_ref, u_ref,
                 *out_refs, M, blk, b_inv, B):
    attn_refs = out_refs[:N_SHARD]
    ctx_ref, nu_ref = out_refs[N_SHARD], out_refs[N_SHARD + 1]
    rh = B // N_SHARD
    i = pl.program_id(0)
    kn = _row_norm(k_ref[:])
    s = lax.dot_general(qs_ref[:], kn, (((1,), (1,)), ((), ())),
                        preferred_element_type=jnp.float32)
    col = i * blk + lax.broadcasted_iota(jnp.int32, (1, blk), 1)
    active = m_ref[:] > 0.0
    wm = active & (col < M)
    e = jnp.where(wm, jnp.exp(s), 0.0)
    a = e * linv_ref[:]
    for c in range(N_SHARD):
        attn_refs[c][:] = a[c * rh:(c + 1) * rh, :]

    row = i * blk + lax.broadcasted_iota(jnp.int32, (blk, 1), 0)
    v = jnp.where(row < M, v_ref[:], 0.0)
    pc = lax.dot_general(a, v, (((1,), (0,)), ((), ())),
                         preferred_element_type=jnp.float32)

    @pl.when(i == 0)
    def _():
        ctx_ref[:] = pc

    @pl.when(i > 0)
    def _():
        ctx_ref[:] = ctx_ref[:] + pc

    mean = jnp.sum(a, axis=0, keepdims=True) * b_inv
    u = u_ref[:]
    nu_ref[:] = jnp.where(active, DECAY * u + (1.0 - DECAY) * mean, u)


def kernel(hidden, W_key, slots_key, slots_value, active_mask, usage_ema):
    B, _ = hidden.shape
    DK = W_key.shape[0]
    M, DV = slots_value.shape
    blk = M_BLK
    nblk = pl.cdiv(M, blk)

    maskf = active_mask.astype(jnp.float32).reshape(1, M)
    u2 = usage_ema.reshape(1, M)

    query, qs = pl.pallas_call(
        _query_kernel,
        out_shape=[jax.ShapeDtypeStruct((B, DK), jnp.float32),
                   jax.ShapeDtypeStruct((B, DK), jnp.float32)],
    )(hidden, W_key)

    linv = pl.pallas_call(
        functools.partial(_rowsum_kernel, M=M, blk=blk),
        grid=(nblk,),
        in_specs=[pl.BlockSpec((B, DK), lambda i: (0, 0)),
                  pl.BlockSpec((blk, DK), lambda i: (i, 0)),
                  pl.BlockSpec((1, blk), lambda i: (0, i))],
        out_specs=pl.BlockSpec((B, 1), lambda i: (0, 0)),
        out_shape=jax.ShapeDtypeStruct((B, 1), jnp.float32),
        scratch_shapes=[pltpu.VMEM((B, 1), jnp.float32)],
    )(qs, slots_key, maskf)

    rh = B // N_SHARD
    outs = pl.pallas_call(
        functools.partial(_attn_kernel, M=M, blk=blk, b_inv=1.0 / B, B=B),
        grid=(nblk,),
        in_specs=[pl.BlockSpec((B, DK), lambda i: (0, 0)),
                  pl.BlockSpec((B, 1), lambda i: (0, 0)),
                  pl.BlockSpec((blk, DK), lambda i: (i, 0)),
                  pl.BlockSpec((blk, DV), lambda i: (i, 0)),
                  pl.BlockSpec((1, blk), lambda i: (0, i)),
                  pl.BlockSpec((1, blk), lambda i: (0, i))],
        out_specs=([pl.BlockSpec((rh, blk), lambda i: (0, i))
                    for _ in range(N_SHARD)]
                   + [pl.BlockSpec((B, DV), lambda i: (0, 0)),
                      pl.BlockSpec((1, blk), lambda i: (0, i))]),
        out_shape=([jax.ShapeDtypeStruct((rh, M), jnp.float32)
                    for _ in range(N_SHARD)]
                   + [jax.ShapeDtypeStruct((B, DV), jnp.float32),
                      jax.ShapeDtypeStruct((1, M), jnp.float32)]),
    )(qs, linv, slots_key, slots_value, maskf, u2)
    attn = jnp.concatenate(outs[:N_SHARD], axis=0)
    ctx, nu = outs[N_SHARD], outs[N_SHARD + 1]

    return ctx, attn, query, nu.reshape(M)

# --- scband reference (transcript-rebuilt; emitter-appended) ---
"""Pipeline reference for scband-memory-bank-33157147525657 (READ-ONLY COPY).

The authoritative reference and input builder live on the scoring server;
editing this copy changes nothing except your own understanding.
"""

import jax, jax.numpy as jnp
import numpy as np

TEMP = 0.1
DECAY = 0.95
B, H, DK, DV, M = 1024, 128, 64, 64, 100000

def _normalize(x, axis=-1, eps=1e-12):
    n = jnp.linalg.norm(x, axis=axis, keepdims=True)
    return x / jnp.maximum(n, eps)

def setup_inputs(seed: int = 0) -> dict:
    key = jax.random.key(seed)
    k1, k2, k3, k4 = jax.random.split(key, 4)
    return {
        'hidden': jax.random.normal(k1, (B, H), dtype=jnp.float32),
        'W_key': jax.random.normal(k2, (DK, H), dtype=jnp.float32) * (1.0 / np.sqrt(H)),
        'slots_key': jax.random.normal(k3, (M, DK), dtype=jnp.float32),
        'slots_value': jax.random.normal(k4, (M, DV), dtype=jnp.float32),
        'active_mask': jnp.ones((M,), dtype=bool),
        'usage_ema': jnp.zeros((M,), dtype=jnp.float32),
    }

def reference(hidden, W_key, slots_key, slots_value, active_mask, usage_ema):
    # query = key_proj(hidden)  (Linear, no bias)
    query = hidden @ W_key.T
    # cosine-similarity attention over active slots (mask instead of gather for jit)
    q_norm = _normalize(query)
    k_norm = _normalize(slots_key)
    sims = (q_norm @ k_norm.T) / TEMP
    sims = jnp.where(active_mask[None, :], sims, -jnp.inf)
    attn = jax.nn.softmax(sims, axis=-1)
    ctx = attn @ slots_value
    # usage EMA buffer update (no_grad side effect in torch; returned here)
    mean_attn = attn.mean(axis=0)
    new_usage = jnp.where(active_mask, DECAY * usage_ema + (1.0 - DECAY) * mean_attn, usage_ema)
    return ctx, attn, query, new_usage

if __name__ == "__main__":
    import jax
    _d = setup_inputs()
    print(jax.jit(kernel)(*tuple(_d.values())))

</pallas_src>

<mosaic_0001>
module attributes {stable_mosaic.version = 14 : i64} {
  func.func @_query_kernel(%arg0: memref<1024x128xf32, #tpu.memory_space<vmem>>, %arg1: memref<64x128xf32, #tpu.memory_space<vmem>>, %arg2: memref<1024x64xf32, #tpu.memory_space<vmem>>, %arg3: memref<1024x64xf32, #tpu.memory_space<vmem>>) attributes {dimension_semantics = [], scalar_prefetch = 0 : i64, scratch_operands = 0 : i64, tpu.core_type = #tpu.core_type<tc>} {
    %get3A = arith.constant 0 : index
    %get3A_0 = arith.constant 0 : index
    %get3A_1 = vector.load %arg0[%get3A, %get3A_0] : memref<1024x128xf32, #tpu.memory_space<vmem>>, vector<1024x128xf32>
    %get3A_2 = arith.constant 0 : index
    %get3A_3 = arith.constant 0 : index
    %get3A_4 = vector.load %arg1[%get3A_2, %get3A_3] : memref<64x128xf32, #tpu.memory_space<vmem>>, vector<64x128xf32>
    %dot_general3A = arith.constant dense<0.000000e+00> : vector<1024x64xf32>
    %dot_general3A_5 = tpu.matmul %get3A_1, %get3A_4, %dot_general3A {dimension_numbers = #tpu.dot_dimension_numbers<[1], [1], [0], [0], [0, 0, 1, 0], [], []>, transpose_lhs_hint = false} : vector<1024x128xf32>, vector<64x128xf32>, vector<1024x64xf32> -> vector<1024x64xf32>
    %swap3A = arith.constant 0 : index
    %swap3A_6 = arith.constant 0 : index
    %swap3A_7 = vector.load %arg2[%swap3A, %swap3A_6] : memref<1024x64xf32, #tpu.memory_space<vmem>>, vector<1024x64xf32>
    tpu.vector_store %arg2[%swap3A, %swap3A_6], %dot_general3A_5 {strides = array<i32>} : memref<1024x64xf32, #tpu.memory_space<vmem>>, vector<1024x64xf32>,
    %mul3A = arith.mulf %dot_general3A_5, %dot_general3A_5 : vector<1024x64xf32>
    %reduce_sum3A = arith.constant dense<0.000000e+00> : vector<1024xf32>
    %reduce_sum3A_8 = vector.multi_reduction <add>, %mul3A, %reduce_sum3A [1] : vector<1024x64xf32> to vector<1024xf32>
    %broadcast_in_dim3A = vector.shape_cast %reduce_sum3A_8 : vector<1024xf32> to vector<1024x1xf32>
    %sqrt3A = math.sqrt %broadcast_in_dim3A : vector<1024x1xf32>
    %max3A = arith.constant 9.99999996E-13 : f32
    %max3A_9 = vector.broadcast %max3A : f32 to vector<1024x1xf32>
    %max3A_10 = arith.maximumf %sqrt3A, %max3A_9 : vector<1024x1xf32>
    %div3A = vector.broadcast %max3A_10 : vector<1024x1xf32> to vector<1024x64xf32>
    %div3A_11 = arith.divf %dot_general3A_5, %div3A : vector<1024x64xf32>
    %mul3A_12 = arith.constant 1.000000e+01 : f32
    %mul3A_13 = vector.broadcast %mul3A_12 : f32 to vector<1024x64xf32>
    %mul3A_14 = arith.mulf %div3A_11, %mul3A_13 : vector<1024x64xf32>
    %swap3A_15 = arith.constant 0 : index
    %swap3A_16 = arith.constant 0 : index
    %swap3A_17 = vector.load %arg3[%swap3A_15, %swap3A_16] : memref<1024x64xf32, #tpu.memory_space<vmem>>, vector<1024x64xf32>
    tpu.vector_store %arg3[%swap3A_15, %swap3A_16], %mul3A_14 {strides = array<i32>} : memref<1024x64xf32, #tpu.memory_space<vmem>>, vector<1024x64xf32>,
    return
  }
}

module attributes {stable_mosaic.version = 14 : i64} {
  func.func @_rowsum_kernel(%arg0: i32, %arg1: memref<1024x64xf32, #tpu.memory_space<vmem>>, %arg2: memref<2048x64xf32, #tpu.memory_space<vmem>>, %arg3: memref<1x2048xf32, #tpu.memory_space<vmem>>, %arg4: memref<1024x1xf32, #tpu.memory_space<vmem>>, %arg5: memref<1024x1xf32, #tpu.memory_space<vmem>>) attributes {dimension_semantics = [#tpu.dimension_semantics<arbitrary>], iteration_bounds = array<i64: 49>, scalar_prefetch = 0 : i64, scratch_operands = 1 : i64, tpu.core_type = #tpu.core_type<tc>, window_params = [{pipeline_mode = #tpu.pipeline_mode<synchronous>, transform_indices = @transform_0, window_bounds = array<i64: 1024, 64>}, {transform_indices = @transform_1, window_bounds = array<i64: 2048, 64>}, {transform_indices = @transform_2, window_bounds = array<i64: 1, 2048>}, {pipeline_mode = #tpu.pipeline_mode<synchronous>, transform_indices = @transform_3, window_bounds = array<i64: 1024, 1>}]} {
    %get3A = arith.constant 0 : index
    %get3A_0 = arith.constant 0 : index
    %get3A_1 = vector.load %arg2[%get3A, %get3A_0] : memref<2048x64xf32, #tpu.memory_space<vmem>>, vector<2048x64xf32>
    %mul3A = arith.mulf %get3A_1, %get3A_1 : vector<2048x64xf32>
    %reduce_sum3A = arith.constant dense<0.000000e+00> : vector<2048xf32>
    %reduce_sum3A_2 = vector.multi_reduction <add>, %mul3A, %reduce_sum3A [1] : vector<2048x64xf32> to vector<2048xf32>
    %broadcast_in_dim3A = vector.shape_cast %reduce_sum3A_2 : vector<2048xf32> to vector<2048x1xf32>
    %sqrt3A = math.sqrt %broadcast_in_dim3A : vector<2048x1xf32>
    %max3A = arith.constant 9.99999996E-13 : f32
    %max3A_3 = vector.broadcast %max3A : f32 to vector<2048x1xf32>
    %max3A_4 = arith.maximumf %sqrt3A, %max3A_3 : vector<2048x1xf32>
    %div3A = vector.broadcast %max3A_4 : vector<2048x1xf32> to vector<2048x64xf32>
    %div3A_5 = arith.divf %get3A_1, %div3A : vector<2048x64xf32>
    %get3A_6 = arith.constant 0 : index
    %get3A_7 = arith.constant 0 : index
    %get3A_8 = vector.load %arg1[%get3A_6, %get3A_7] : memref<1024x64xf32, #tpu.memory_space<vmem>>, vector<1024x64xf32>
    %dot_general3A = arith.constant dense<0.000000e+00> : vector<1024x2048xf32>
    %dot_general3A_9 = tpu.matmul %get3A_8, %div3A_5, %dot_general3A {dimension_numbers = #tpu.dot_dimension_numbers<[1], [1], [0], [0], [0, 0, 1, 0], [], []>, transpose_lhs_hint = false} : vector<1024x64xf32>, vector<2048x64xf32>, vector<1024x2048xf32> -> vector<1024x2048xf32>
    %mul3A_10 = arith.constant 2048 : i32
    %mul3A_11 = arith.muli %arg0, %mul3A_10 : i32
    %iota3A = tpu.iota {dimensions = array<i32: 1>} : vector<1x2048xi32>
    %add3A = vector.broadcast %mul3A_11 : i32 to vector<1x2048xi32>
    %add3A_12 = arith.addi %add3A, %iota3A : vector<1x2048xi32>
    %get3A_13 = arith.constant 0 : index
    %get3A_14 = arith.constant 0 : index
    %get3A_15 = vector.load %arg3[%get3A_13, %get3A_14] : memref<1x2048xf32, #tpu.memory_space<vmem>>, vector<1x2048xf32>
    %gt3A = arith.constant 0.000000e+00 : f32
    %gt3A_16 = vector.broadcast %gt3A : f32 to vector<1x2048xf32>
    %gt3A_17 = arith.cmpf ogt, %get3A_15, %gt3A_16 : vector<1x2048xf32>
    %lt3A = arith.constant 100000 : i32
    %lt3A_18 = vector.broadcast %lt3A : i32 to vector<1x2048xi32>
    %lt3A_19 = arith.cmpi slt, %add3A_12, %lt3A_18 : vector<1x2048xi32>
    %and3A = arith.andi %gt3A_17, %lt3A_19 : vector<1x2048xi1>
    %exp3A = math.exp %dot_general3A_9 : vector<1024x2048xf32>
    %jit3A = arith.constant 0.000000e+00 : f32
    %broadcast_in_dim3A_20 = vector.shape_cast %and3A : vector<1x2048xi1> to vector<1x2048xi1>
    %broadcast_in_dim3A_21 = vector.broadcast %broadcast_in_dim3A_20 : vector<1x2048xi1> to vector<1024x2048xi1>
    %broadcast_in_dim3A_22 = vector.broadcast %jit3A : f32 to vector<1024x2048xf32>
    %select_n3A = arith.select %broadcast_in_dim3A_21, %exp3A, %broadcast_in_dim3A_22 : vector<1024x2048xi1>, vector<1024x2048xf32>
    %reduce_sum3A_23 = arith.constant dense<0.000000e+00> : vector<1024xf32>
    %reduce_sum3A_24 = vector.multi_reduction <add>, %select_n3A, %reduce_sum3A_23 [1] : vector<1024x2048xf32> to vector<1024xf32>
    %broadcast_in_dim3A_25 = vector.shape_cast %reduce_sum3A_24 : vector<1024xf32> to vector<1024x1xf32>
    %eq3A = arith.constant 0 : i32
    %eq3A_26 = arith.cmpi eq, %arg0, %eq3A : i32
    %convert_element_type3A = arith.extui %eq3A_26 : i1 to i32
    %cond3A = arith.constant 0 : i32
    %cond3A_27 = arith.cmpi ne, %convert_element_type3A, %cond3A : i32
    scf.if %cond3A_27 {
      %swap3A = arith.constant 0 : index
      %swap3A_38 = arith.constant 0 : index
      %swap3A_39 = vector.load %arg5[%swap3A, %swap3A_38] : memref<1024x1xf32, #tpu.memory_space<vmem>>, vector<1024x1xf32>
      tpu.vector_store %arg5[%swap3A, %swap3A_38], %broadcast_in_dim3A_25 {strides = array<i32>} : memref<1024x1xf32, #tpu.memory_space<vmem>>, vector<1024x1xf32>,
    } else {
    }
    %gt3A_28 = arith.constant 0 : i32
    %gt3A_29 = arith.cmpi sgt, %arg0, %gt3A_28 : i32
    %convert_element_type3A_30 = arith.extui %gt3A_29 : i1 to i32
    %cond3A_31 = arith.constant 0 : i32
    %cond3A_32 = arith.cmpi ne, %convert_element_type3A_30, %cond3A_31 : i32
    scf.if %cond3A_32 {
      %get3A_38 = arith.constant 0 : index
      %get3A_39 = arith.constant 0 : index
      %get3A_40 = vector.load %arg5[%get3A_38, %get3A_39] : memref<1024x1xf32, #tpu.memory_space<vmem>>, vector<1024x1xf32>
      %add3A_41 = arith.addf %get3A_40, %broadcast_in_dim3A_25 : vector<1024x1xf32>
      %swap3A = arith.constant 0 : index
      %swap3A_42 = arith.constant 0 : index
      %swap3A_43 = vector.load %arg5[%swap3A, %swap3A_42] : memref<1024x1xf32, #tpu.memory_space<vmem>>, vector<1024x1xf32>
      tpu.vector_store %arg5[%swap3A, %swap3A_42], %add3A_41 {strides = array<i32>} : memref<1024x1xf32, #tpu.memory_space<vmem>>, vector<1024x1xf32>,
    } else {
    }
    %eq3A_33 = arith.constant 48 : i32
    %eq3A_34 = arith.cmpi eq, %arg0, %eq3A_33 : i32
    %convert_element_type3A_35 = arith.extui %eq3A_34 : i1 to i32
    %cond3A_36 = arith.constant 0 : i32
    %cond3A_37 = arith.cmpi ne, %convert_element_type3A_35, %cond3A_36 : i32
    scf.if %cond3A_37 {
      %get3A_38 = arith.constant 0 : index
      %get3A_39 = arith.constant 0 : index
      %get3A_40 = vector.load %arg5[%get3A_38, %get3A_39] : memref<1024x1xf32, #tpu.memory_space<vmem>>, vector<1024x1xf32>
      %div3A_41 = arith.constant 1.000000e+00 : f32
      %div3A_42 = vector.broadcast %div3A_41 : f32 to vector<1024x1xf32>
      %div3A_43 = arith.divf %div3A_42, %get3A_40 : vector<1024x1xf32>
      %swap3A = arith.constant 0 : index
      %swap3A_44 = arith.constant 0 : index
      %swap3A_45 = vector.load %arg4[%swap3A, %swap3A_44] : memref<1024x1xf32, #tpu.memory_space<vmem>>, vector<1024x1xf32>
      tpu.vector_store %arg4[%swap3A, %swap3A_44], %div3A_43 {strides = array<i32>} : memref<1024x1xf32, #tpu.memory_space<vmem>>, vector<1024x1xf32>,
    } else {
    }
    return
  }
  func.func @transform_0(%arg0: i32) -> (i32, i32) {
    %c0_i32 = arith.constant 0 : i32
    %c0_i32_0 = arith.constant 0 : i32
    %c0_i32_1 = arith.constant 0 : i32
    return %c0_i32, %c0_i32_0 : i32, i32
  }
  func.func @transform_1(%arg0: i32) -> (i32, i32) {
    %c0_i32 = arith.constant 0 : i32
    %c0_i32_0 = arith.constant 0 : i32
    return %arg0, %c0_i32 : i32, i32
  }
  func.func @transform_2(%arg0: i32) -> (i32, i32) {
    %c0_i32 = arith.constant 0 : i32
    %c0_i32_0 = arith.constant 0 : i32
    return %c0_i32, %arg0 : i32, i32
  }
  func.func @transform_3(%arg0: i32) -> (i32, i32) {
    %c0_i32 = arith.constant 0 : i32
    %c0_i32_0 = arith.constant 0 : i32
    %c0_i32_1 = arith.constant 0 : i32
    return %c0_i32, %c0_i32_0 : i32, i32
  }
}

module attributes {stable_mosaic.version = 14 : i64} {
  func.func @_attn_kernel(%arg0: i32, %arg1: memref<1024x64xf32, #tpu.memory_space<vmem>>, %arg2: memref<1024x1xf32, #tpu.memory_space<vmem>>, %arg3: memref<2048x64xf32, #tpu.memory_space<vmem>>, %arg4: memref<2048x64xf32, #tpu.memory_space<vmem>>, %arg5: memref<1x2048xf32, #tpu.memory_space<vmem>>, %arg6: memref<1x2048xf32, #tpu.memory_space<vmem>>, %arg7: memref<128x2048xf32, #tpu.memory_space<vmem>>, %arg8: memref<128x2048xf32, #tpu.memory_space<vmem>>, %arg9: memref<128x2048xf32, #tpu.memory_space<vmem>>, %arg10: memref<128x2048xf32, #tpu.memory_space<vmem>>, %arg11: memref<128x2048xf32, #tpu.memory_space<vmem>>, %arg12: memref<128x2048xf32, #tpu.memory_space<vmem>>, %arg13: memref<128x2048xf32, #tpu.memory_space<vmem>>, %arg14: memref<128x2048xf32, #tpu.memory_space<vmem>>, %arg15: memref<1024x64xf32, #tpu.memory_space<vmem>>, %arg16: memref<1x2048xf32, #tpu.memory_space<vmem>>) attributes {dimension_semantics = [#tpu.dimension_semantics<arbitrary>], iteration_bounds = array<i64: 49>, scalar_prefetch = 0 : i64, scratch_operands = 0 : i64, tpu.core_type = #tpu.core_type<tc>, window_params = [{pipeline_mode = #tpu.pipeline_mode<synchronous>, transform_indices = @transform_0, window_bounds = array<i64: 1024, 64>}, {pipeline_mode = #tpu.pipeline_mode<synchronous>, transform_indices = @transform_1, window_bounds = array<i64: 1024, 1>}, {transform_indices = @transform_2, window_bounds = array<i64: 2048, 64>}, {transform_indices = @transform_3, window_bounds = array<i64: 2048, 64>}, {transform_indices = @transform_4, window_bounds = array<i64: 1, 2048>}, {transform_indices = @transform_5, window_bounds = array<i64: 1, 2048>}, {transform_indices = @transform_6, window_bounds = array<i64: 128, 2048>}, {transform_indices = @transform_7, window_bounds = array<i64: 128, 2048>}, {transform_indices = @transform_8, window_bounds = array<i64: 128, 2048>}, {transform_indices = @transform_9, window_bounds = array<i64: 128, 2048>}, {transform_indices = @transform_10, window_bounds = array<i64: 128, 2048>}, {transform_indices = @transform_11, window_bounds = array<i64: 128, 2048>}, {transform_indices = @transform_12, window_bounds = array<i64: 128, 2048>}, {transform_indices = @transform_13, window_bounds = array<i64: 128, 2048>}, {pipeline_mode = #tpu.pipeline_mode<synchronous>, transform_indices = @transform_14, window_bounds = array<i64: 1024, 64>}, {transform_indices = @transform_15, window_bounds = array<i64: 1, 2048>}]} {
    %get3A = arith.constant 0 : index
    %get3A_0 = arith.constant 0 : index
    %get3A_1 = vector.load %arg3[%get3A, %get3A_0] : memref<2048x64xf32, #tpu.memory_space<vmem>>, vector<2048x64xf32>
    %mul3A = arith.mulf %get3A_1, %get3A_1 : vector<2048x64xf32>
    %reduce_sum3A = arith.constant dense<0.000000e+00> : vector<2048xf32>
    %reduce_sum3A_2 = vector.multi_reduction <add>, %mul3A, %reduce_sum3A [1] : vector<2048x64xf32> to vector<2048xf32>
    %broadcast_in_dim3A = vector.shape_cast %reduce_sum3A_2 : vector<2048xf32> to vector<2048x1xf32>
    %sqrt3A = math.sqrt %broadcast_in_dim3A : vector<2048x1xf32>
    %max3A = arith.constant 9.99999996E-13 : f32
    %max3A_3 = vector.broadcast %max3A : f32 to vector<2048x1xf32>
    %max3A_4 = arith.maximumf %sqrt3A, %max3A_3 : vector<2048x1xf32>
    %div3A = vector.broadcast %max3A_4 : vector<2048x1xf32> to vector<2048x64xf32>
    %div3A_5 = arith.divf %get3A_1, %div3A : vector<2048x64xf32>
    %get3A_6 = arith.constant 0 : index
    %get3A_7 = arith.constant 0 : index
    %get3A_8 = vector.load %arg1[%get3A_6, %get3A_7] : memref<1024x64xf32, #tpu.memory_space<vmem>>, vector<1024x64xf32>
    %dot_general3A = arith.constant dense<0.000000e+00> : vector<1024x2048xf32>
    %dot_general3A_9 = tpu.matmul %get3A_8, %div3A_5, %dot_general3A {dimension_numbers = #tpu.dot_dimension_numbers<[1], [1], [0], [0], [0, 0, 1, 0], [], []>, transpose_lhs_hint = false} : vector<1024x64xf32>, vector<2048x64xf32>, vector<1024x2048xf32> -> vector<1024x2048xf32>
    %mul3A_10 = arith.constant 2048 : i32
    %mul3A_11 = arith.muli %arg0, %mul3A_10 : i32
    %iota3A = tpu.iota {dimensions = array<i32: 1>} : vector<1x2048xi32>
    %add3A = vector.broadcast %mul3A_11 : i32 to vector<1x2048xi32>
    %add3A_12 = arith.addi %add3A, %iota3A : vector<1x2048xi32>
    %get3A_13 = arith.constant 0 : index
    %get3A_14 = arith.constant 0 : index
    %get3A_15 = vector.load %arg5[%get3A_13, %get3A_14] : memref<1x2048xf32, #tpu.memory_space<vmem>>, vector<1x2048xf32>
    %gt3A = arith.constant 0.000000e+00 : f32
    %gt3A_16 = vector.broadcast %gt3A : f32 to vector<1x2048xf32>
    %gt3A_17 = arith.cmpf ogt, %get3A_15, %gt3A_16 : vector<1x2048xf32>
    %lt3A = arith.constant 100000 : i32
    %lt3A_18 = vector.broadcast %lt3A : i32 to vector<1x2048xi32>
    %lt3A_19 = arith.cmpi slt, %add3A_12, %lt3A_18 : vector<1x2048xi32>
    %and3A = arith.andi %gt3A_17, %lt3A_19 : vector<1x2048xi1>
    %exp3A = math.exp %dot_general3A_9 : vector<1024x2048xf32>
    %jit3A = arith.constant 0.000000e+00 : f32
    %broadcast_in_dim3A_20 = vector.shape_cast %and3A : vector<1x2048xi1> to vector<1x2048xi1>
    %broadcast_in_dim3A_21 = vector.broadcast %broadcast_in_dim3A_20 : vector<1x2048xi1> to vector<1024x2048xi1>
    %broadcast_in_dim3A_22 = vector.broadcast %jit3A : f32 to vector<1024x2048xf32>
    %select_n3A = arith.select %broadcast_in_dim3A_21, %exp3A, %broadcast_in_dim3A_22 : vector<1024x2048xi1>, vector<1024x2048xf32>
    %get3A_23 = arith.constant 0 : index
    %get3A_24 = arith.constant 0 : index
    %get3A_25 = vector.load %arg2[%get3A_23, %get3A_24] : memref<1024x1xf32, #tpu.memory_space<vmem>>, vector<1024x1xf32>
    %mul3A_26 = vector.broadcast %get3A_25 : vector<1024x1xf32> to vector<1024x2048xf32>
    %mul3A_27 = arith.mulf %select_n3A, %mul3A_26 : vector<1024x2048xf32>
    %slice3A = vector.extract_strided_slice %mul3A_27 {offsets = [0, 0], sizes = [128, 2048], strides = [1, 1]} : vector<1024x2048xf32> to vector<128x2048xf32>
    %swap3A = arith.constant 0 : index
    %swap3A_28 = arith.constant 0 : index
    %swap3A_29 = vector.load %arg7[%swap3A, %swap3A_28] : memref<128x2048xf32, #tpu.memory_space<vmem>>, vector<128x2048xf32>
    tpu.vector_store %arg7[%swap3A, %swap3A_28], %slice3A {strides = array<i32>} : memref<128x2048xf32, #tpu.memory_space<vmem>>, vector<128x2048xf32>,
    %slice3A_30 = vector.extract_strided_slice %mul3A_27 {offsets = [128, 0], sizes = [128, 2048], strides = [1, 1]} : vector<1024x2048xf32> to vector<128x2048xf32>
    %swap3A_31 = arith.constant 0 : index
    %swap3A_32 = arith.constant 0 : index
    %swap3A_33 = vector.load %arg8[%swap3A_31, %swap3A_32] : memref<128x2048xf32, #tpu.memory_space<vmem>>, vector<128x2048xf32>
    tpu.vector_store %arg8[%swap3A_31, %swap3A_32], %slice3A_30 {strides = array<i32>} : memref<128x2048xf32, #tpu.memory_space<vmem>>, vector<128x2048xf32>,
    %slice3A_34 = vector.extract_strided_slice %mul3A_27 {offsets = [256, 0], sizes = [128, 2048], strides = [1, 1]} : vector<1024x2048xf32> to vector<128x2048xf32>
    %swap3A_35 = arith.constant 0 : index
    %swap3A_36 = arith.constant 0 : index
    %swap3A_37 = vector.load %arg9[%swap3A_35, %swap3A_36] : memref<128x2048xf32, #tpu.memory_space<vmem>>, vector<128x2048xf32>
    tpu.vector_store %arg9[%swap3A_35, %swap3A_36], %slice3A_34 {strides = array<i32>} : memref<128x2048xf32, #tpu.memory_space<vmem>>, vector<128x2048xf32>,
    %slice3A_38 = vector.extract_strided_slice %mul3A_27 {offsets = [384, 0], sizes = [128, 2048], strides = [1, 1]} : vector<1024x2048xf32> to vector<128x2048xf32>
    %swap3A_39 = arith.constant 0 : index
    %swap3A_40 = arith.constant 0 : index
    %swap3A_41 = vector.load %arg10[%swap3A_39, %swap3A_40] : memref<128x2048xf32, #tpu.memory_space<vmem>>, vector<128x2048xf32>
    tpu.vector_store %arg10[%swap3A_39, %swap3A_40], %slice3A_38 {strides = array<i32>} : memref<128x2048xf32, #tpu.memory_space<vmem>>, vector<128x2048xf32>,
    %slice3A_42 = vector.extract_strided_slice %mul3A_27 {offsets = [512, 0], sizes = [128, 2048], strides = [1, 1]} : vector<1024x2048xf32> to vector<128x2048xf32>
    %swap3A_43 = arith.constant 0 : index
    %swap3A_44 = arith.constant 0 : index
    %swap3A_45 = vector.load %arg11[%swap3A_43, %swap3A_44] : memref<128x2048xf32, #tpu.memory_space<vmem>>, vector<128x2048xf32>
    tpu.vector_store %arg11[%swap3A_43, %swap3A_44], %slice3A_42 {strides = array<i32>} : memref<128x2048xf32, #tpu.memory_space<vmem>>, vector<128x2048xf32>,
    %slice3A_46 = vector.extract_strided_slice %mul3A_27 {offsets = [640, 0], sizes = [128, 2048], strides = [1, 1]} : vector<1024x2048xf32> to vector<128x2048xf32>
    %swap3A_47 = arith.constant 0 : index
    %swap3A_48 = arith.constant 0 : index
    %swap3A_49 = vector.load %arg12[%swap3A_47, %swap3A_48] : memref<128x2048xf32, #tpu.memory_space<vmem>>, vector<128x2048xf32>
    tpu.vector_store %arg12[%swap3A_47, %swap3A_48], %slice3A_46 {strides = array<i32>} : memref<128x2048xf32, #tpu.memory_space<vmem>>, vector<128x2048xf32>,
    %slice3A_50 = vector.extract_strided_slice %mul3A_27 {offsets = [768, 0], sizes = [128, 2048], strides = [1, 1]} : vector<1024x2048xf32> to vector<128x2048xf32>
    %swap3A_51 = arith.constant 0 : index
    %swap3A_52 = arith.constant 0 : index
    %swap3A_53 = vector.load %arg13[%swap3A_51, %swap3A_52] : memref<128x2048xf32, #tpu.memory_space<vmem>>, vector<128x2048xf32>
    tpu.vector_store %arg13[%swap3A_51, %swap3A_52], %slice3A_50 {strides = array<i32>} : memref<128x2048xf32, #tpu.memory_space<vmem>>, vector<128x2048xf32>,
    %slice3A_54 = vector.extract_strided_slice %mul3A_27 {offsets = [896, 0], sizes = [128, 2048], strides = [1, 1]} : vector<1024x2048xf32> to vector<128x2048xf32>
    %swap3A_55 = arith.constant 0 : index
    %swap3A_56 = arith.constant 0 : index
    %swap3A_57 = vector.load %arg14[%swap3A_55, %swap3A_56] : memref<128x2048xf32, #tpu.memory_space<vmem>>, vector<128x2048xf32>
    tpu.vector_store %arg14[%swap3A_55, %swap3A_56], %slice3A_54 {strides = array<i32>} : memref<128x2048xf32, #tpu.memory_space<vmem>>, vector<128x2048xf32>,
    %mul3A_58 = arith.constant 2048 : i32
    %mul3A_59 = arith.muli %arg0, %mul3A_58 : i32
    %iota3A_60 = tpu.iota {dimensions = array<i32: 0>} : vector<2048x1xi32>
    %add3A_61 = vector.broadcast %mul3A_59 : i32 to vector<2048x1xi32>
    %add3A_62 = arith.addi %add3A_61, %iota3A_60 : vector<2048x1xi32>
    %lt3A_63 = arith.constant 100000 : i32
    %lt3A_64 = vector.broadcast %lt3A_63 : i32 to vector<2048x1xi32>
    %lt3A_65 = arith.cmpi slt, %add3A_62, %lt3A_64 : vector<2048x1xi32>
    %get3A_66 = arith.constant 0 : index
    %get3A_67 = arith.constant 0 : index
    %get3A_68 = vector.load %arg4[%get3A_66, %get3A_67] : memref<2048x64xf32, #tpu.memory_space<vmem>>, vector<2048x64xf32>
    %jit3A_69 = arith.constant 0.000000e+00 : f32
    %broadcast_in_dim3A_70 = vector.shape_cast %lt3A_65 : vector<2048x1xi1> to vector<2048x1xi1>
    %broadcast_in_dim3A_71 = vector.broadcast %broadcast_in_dim3A_70 : vector<2048x1xi1> to vector<2048x64xi1>
    %broadcast_in_dim3A_72 = vector.broadcast %jit3A_69 : f32 to vector<2048x64xf32>
    %select_n3A_73 = arith.select %broadcast_in_dim3A_71, %get3A_68, %broadcast_in_dim3A_72 : vector<2048x64xi1>, vector<2048x64xf32>
    %dot_general3A_74 = arith.constant dense<0.000000e+00> : vector<1024x64xf32>
    %dot_general3A_75 = tpu.matmul %mul3A_27, %select_n3A_73, %dot_general3A_74 {dimension_numbers = #tpu.dot_dimension_numbers<[1], [0], [0], [1], [0, 0, 1, 1], [], []>, transpose_lhs_hint = false} : vector<1024x2048xf32>, vector<2048x64xf32>, vector<1024x64xf32> -> vector<1024x64xf32>
    %eq3A = arith.constant 0 : i32
    %eq3A_76 = arith.cmpi eq, %arg0, %eq3A : i32
    %convert_element_type3A = arith.extui %eq3A_76 : i1 to i32
    %cond3A = arith.constant 0 : i32
    %cond3A_77 = arith.cmpi ne, %convert_element_type3A, %cond3A : i32
    scf.if %cond3A_77 {
      %swap3A_103 = arith.constant 0 : index
      %swap3A_104 = arith.constant 0 : index
      %swap3A_105 = vector.load %arg15[%swap3A_103, %swap3A_104] : memref<1024x64xf32, #tpu.memory_space<vmem>>, vector<1024x64xf32>
      tpu.vector_store %arg15[%swap3A_103, %swap3A_104], %dot_general3A_75 {strides = array<i32>} : memref<1024x64xf32, #tpu.memory_space<vmem>>, vector<1024x64xf32>,
    } else {
    }
    %gt3A_78 = arith.constant 0 : i32
    %gt3A_79 = arith.cmpi sgt, %arg0, %gt3A_78 : i32
    %convert_element_type3A_80 = arith.extui %gt3A_79 : i1 to i32
    %cond3A_81 = arith.constant 0 : i32
    %cond3A_82 = arith.cmpi ne, %convert_element_type3A_80, %cond3A_81 : i32
    scf.if %cond3A_82 {
      %get3A_103 = arith.constant 0 : index
      %get3A_104 = arith.constant 0 : index
      %get3A_105 = vector.load %arg15[%get3A_103, %get3A_104] : memref<1024x64xf32, #tpu.memory_space<vmem>>, vector<1024x64xf32>
      %add3A_106 = arith.addf %get3A_105, %dot_general3A_75 : vector<1024x64xf32>
      %swap3A_107 = arith.constant 0 : index
      %swap3A_108 = arith.constant 0 : index
      %swap3A_109 = vector.load %arg15[%swap3A_107, %swap3A_108] : memref<1024x64xf32, #tpu.memory_space<vmem>>, vector<1024x64xf32>
      tpu.vector_store %arg15[%swap3A_107, %swap3A_108], %add3A_106 {strides = array<i32>} : memref<1024x64xf32, #tpu.memory_space<vmem>>, vector<1024x64xf32>,
    } else {
    }
    %reduce_sum3A_83 = arith.constant dense<0.000000e+00> : vector<2048xf32>
    %reduce_sum3A_84 = vector.multi_reduction <add>, %mul3A_27, %reduce_sum3A_83 [0] : vector<1024x2048xf32> to vector<2048xf32>
    %broadcast_in_dim3A_85 = vector.shape_cast %reduce_sum3A_84 : vector<2048xf32> to vector<1x2048xf32>
    %mul3A_86 = arith.constant 9.765625E-4 : f32
    %mul3A_87 = vector.broadcast %mul3A_86 : f32 to vector<1x2048xf32>
    %mul3A_88 = arith.mulf %broadcast_in_dim3A_85, %mul3A_87 : vector<1x2048xf32>
    %get3A_89 = arith.constant 0 : index
    %get3A_90 = arith.constant 0 : index
    %get3A_91 = vector.load %arg6[%get3A_89, %get3A_90] : memref<1x2048xf32, #tpu.memory_space<vmem>>, vector<1x2048xf32>
    %mul3A_92 = arith.constant 0.949999988 : f32
    %mul3A_93 = vector.broadcast %mul3A_92 : f32 to vector<1x2048xf32>
    %mul3A_94 = arith.mulf %mul3A_93, %get3A_91 : vector<1x2048xf32>
    %mul3A_95 = arith.constant 5.000000e-02 : f32
    %mul3A_96 = vector.broadcast %mul3A_95 : f32 to vector<1x2048xf32>
    %mul3A_97 = arith.mulf %mul3A_96, %mul3A_88 : vector<1x2048xf32>
    %add3A_98 = arith.addf %mul3A_94, %mul3A_97 : vector<1x2048xf32>
    %select_n3A_99 = arith.select %gt3A_17, %add3A_98, %get3A_91 : vector<1x2048xi1>, vector<1x2048xf32>
    %swap3A_100 = arith.constant 0 : index
    %swap3A_101 = arith.constant 0 : index
    %swap3A_102 = vector.load %arg16[%swap3A_100, %swap3A_101] : memref<1x2048xf32, #tpu.memory_space<vmem>>, vector<1x2048xf32>
    tpu.vector_store %arg16[%swap3A_100, %swap3A_101], %select_n3A_99 {strides = array<i32>} : memref<1x2048xf32, #tpu.memory_space<vmem>>, vector<1x2048xf32>,
    return
  }
  func.func @transform_0(%arg0: i32) -> (i32, i32) {
    %c0_i32 = arith.constant 0 : i32
    %c0_i32_0 = arith.constant 0 : i32
    %c0_i32_1 = arith.constant 0 : i32
    return %c0_i32, %c0_i32_0 : i32, i32
  }
  func.func @transform_1(%arg0: i32) -> (i32, i32) {
    %c0_i32 = arith.constant 0 : i32
    %c0_i32_0 = arith.constant 0 : i32
    %c0_i32_1 = arith.constant 0 : i32
    return %c0_i32, %c0_i32_0 : i32, i32
  }
  func.func @transform_2(%arg0: i32) -> (i32, i32) {
    %c0_i32 = arith.constant 0 : i32
    %c0_i32_0 = arith.constant 0 : i32
    return %arg0, %c0_i32 : i32, i32
  }
  func.func @transform_3(%arg0: i32) -> (i32, i32) {
    %c0_i32 = arith.constant 0 : i32
    %c0_i32_0 = arith.constant 0 : i32
    return %arg0, %c0_i32 : i32, i32
  }
  func.func @transform_4(%arg0: i32) -> (i32, i32) {
    %c0_i32 = arith.constant 0 : i32
    %c0_i32_0 = arith.constant 0 : i32
    return %c0_i32, %arg0 : i32, i32
  }
  func.func @transform_5(%arg0: i32) -> (i32, i32) {
    %c0_i32 = arith.constant 0 : i32
    %c0_i32_0 = arith.constant 0 : i32
    return %c0_i32, %arg0 : i32, i32
  }
  func.func @transform_6(%arg0: i32) -> (i32, i32) {
    %c0_i32 = arith.constant 0 : i32
    %c0_i32_0 = arith.constant 0 : i32
    return %c0_i32, %arg0 : i32, i32
  }
  func.func @transform_7(%arg0: i32) -> (i32, i32) {
    %c0_i32 = arith.constant 0 : i32
    %c0_i32_0 = arith.constant 0 : i32
    return %c0_i32, %arg0 : i32, i32
  }
  func.func @transform_8(%arg0: i32) -> (i32, i32) {
    %c0_i32 = arith.constant 0 : i32
    %c0_i32_0 = arith.constant 0 : i32
    return %c0_i32, %arg0 : i32, i32
  }
  func.func @transform_9(%arg0: i32) -> (i32, i32) {
    %c0_i32 = arith.constant 0 : i32
    %c0_i32_0 = arith.constant 0 : i32
    return %c0_i32, %arg0 : i32, i32
  }
  func.func @transform_10(%arg0: i32) -> (i32, i32) {
    %c0_i32 = arith.constant 0 : i32
    %c0_i32_0 = arith.constant 0 : i32
    return %c0_i32, %arg0 : i32, i32
  }
  func.func @transform_11(%arg0: i32) -> (i32, i32) {
    %c0_i32 = arith.constant 0 : i32
    %c0_i32_0 = arith.constant 0 : i32
    return %c0_i32, %arg0 : i32, i32
  }
  func.func @transform_12(%arg0: i32) -> (i32, i32) {
    %c0_i32 = arith.constant 0 : i32
    %c0_i32_0 = arith.constant 0 : i32
    return %c0_i32, %arg0 : i32, i32
  }
  func.func @transform_13(%arg0: i32) -> (i32, i32) {
    %c0_i32 = arith.constant 0 : i32
    %c0_i32_0 = arith.constant 0 : i32
    return %c0_i32, %arg0 : i32, i32
  }
  func.func @transform_14(%arg0: i32) -> (i32, i32) {
    %c0_i32 = arith.constant 0 : i32
    %c0_i32_0 = arith.constant 0 : i32
    %c0_i32_1 = arith.constant 0 : i32
    return %c0_i32, %c0_i32_0 : i32, i32
  }
  func.func @transform_15(%arg0: i32) -> (i32, i32) {
    %c0_i32 = arith.constant 0 : i32
    %c0_i32_0 = arith.constant 0 : i32
    return %c0_i32, %arg0 : i32, i32
  }
}

</mosaic_0001>

<sc_bundles>
// kernel: sparse-core-data-format-call.cloned.1.call-start
scs
called_computation_lowered:
.L_overlay_start_0:
0x0: {  	s2 =	sld [smem:$0x3FD9]  }
0x1: {  	s3 =	sld [smem:$0x3FFE];
	_ =	sdelay $0x1  }
0x2: {  	s1 =	srdreg.scid  }
0x3: {  	s0 =	sand.u32 $0x1, s1  }
0x4: {  	s15 =	sshll.u32 s0, $0xA;
	s2 =	sadd.s32 s3, s2  }
0x5: {  	s2 =	sadd.s32 s2, s15  }
0x6: {  	[smem:$0x3FC2] =	sst s2  }
0x7: {  	_ = 	snop  }
0x8: {  	s2 =	sld [smem:$0x3FD0];
	_ =	sdelay $0x2  }
0x9: {  	s16 =	simm.s32 $0xA;
	s4 =	simm.s32 $0x10  }
0xa: {  	[smem:s4], [sflag:s16] =	dma.local [hbm:s2], $0x1  }
0xb: {  	_ =	swait.eq [sflag:s16], $0x1  }
0xc: {  	[sflag:s16] =	ssyncset.done $0x0  }
0xd: {  	[sflag:s16] =	ssyncadd.s32 $0xFFFFFFFF  }
0xe: {  	s17 =	sld [smem:$0x11];
	(tm) =	ssettm $0x1  }
0xf: {  	s18 =	sld [smem:$0x3FFB];
	_ =	sdelay $0x3  }
0x10: {  	_ =	strace s18  }
0x11: {  	s3 =	sld [smem:$0x3FFC];
	_ =	sdelay $0x3  }
0x12: {  	_ =	strace s3  }
0x13: {  	s3 =	sld [smem:$0x3FFD];
	_ =	sdelay $0x3  }
0x14: {  	_ =	strace s3  }
0x15: {  	_ =	strace $0x8FFFFFFF  }
0x16: {  	s19 =	sld [smem:$0x3FDB];
	_ =	sdelay $0x1  }
0x17: {  	s20 =	simm.s32 $_scs_section_size  }
0x18: {  	s5 =	simm.s32 $_size__tile_overlayer_lowered;
	s6 =	simm.s32 $_tile_overlayer_lowered  }
0x19: {  	s23 =	simm.s32 $0x1BFF;
	s22 =	sshll.u32 s6, $0x1;
	s3 =	sadd.s32 s20, s19  }
0x1a: {  	s7 =	simm.s32 $0x0;
	s21 =	sshll.u32 s5, $0x1;
	s5 =	sadd.s32 s22, s3  }
0x1b: {  	[timem:s7], [sflag:s23] =	dma.local [hbm:s5], s21  }
0x1c: {  	_ =	swait.ge [sflag:s23], s21  }
0x1d: {  	s4 =	ssub.s32 $0x0, s21;
	[sflag:s23] =	ssyncset.done $0x0  }
0x1e: {  	[sflag:s23] =	ssyncadd.s32 s4;
	_ =	sdelay $0x1  }
0x1f: {  	s24 =	simm.s32 $0x1B8B  }
0x20: {  	_ =	swait.ge [sflag:s24], $0x1  }
0x21: {  	[sflag:s24] =	ssyncset.done $0x0  }
0x22: {  	s26 =	simm.s32 $0x1B8E;
	s25 =	sld [smem:$0x3FFE];
	[sflag:s24] =	ssyncadd.s32 $0xFFFFFFFF  }
0x23: {  	s27 =	simm.s32 $execute0_lowered;
	[smem:$0x3FD2] =	sst s26  }
0x24: {  	s5 =	sshll.u32 s27, $0x1;
	_ =	strace $0x80000046;
	[dreg:$0x1] =	wrdreg $0xFFFFFFFF  }
0x25: {  	s28 =	simm.s32 $_size_execute0_lowered;
	s3 =	sadd.s32 s3, s5;
	[dreg:$0x0] =	wrdreg $0x0  }
0x26: {  	s5 =	sshll.u32 s28, $0x1;
	[dreg:$0x2] =	wrdreg s3  }
0x27: {  	[dreg:$0x3] =	wrdreg s5  }
0x28: {  	[dreg:$0x4] =	wrdreg $0xC0  }
0x29: {  	_ =	task [dreg:s7], $0x5FFFF  }
0x2a: {  	[dreg:$0x1] =	wrdreg $0xFFFFFFFF  }
0x2b: {  	[dreg:$0x0] =	wrdreg $0x60  }
0x2c: {  	[dreg:$0x2] =	wrdreg s25  }
0x2d: {  	[dreg:$0x3] =	wrdreg s17  }
0x2e: {  	[dreg:$0x4] =	wrdreg $0x9  }
0x2f: {  	_ =	task.clear_ibuf [dreg:s7], $0x5FFFF;
	_ =	strace $0x90000046  }
0x30: {  	s29 =	simm.s32 $0x9;
	_ =	strace $0x80000048  }
0x31: {  	_ =	swait.ge [sflag:s29], $0x1  }
0x32: {  	[sflag:s29] =	ssyncadd.s32 $0xFFFFFFFF  }
0x33: {  	_ =	strace $0x90000048  }
0x34: {  	_ =	sfence  }
0x35: {  	s30 =	sld [smem:$0x0];
	_ =	sdelay $0x2  }
0x36: {  	s31 =	sshll.u32 s1, $0xD;
	s1 =	sshrl.u32 s1, $0x2  }
0x37: {  	s3 =	sand.u32 $0x4000, s31;
	s1 =	sadd.s32 s1, s30  }
0x38: {  	s0 =	sor.u32 s3, s0;
	s1 =	sshll.u32 s1, $0x11  }
0x39: {  	s0 =	sor.u32 s1, s0  }
0x3a: {  	s0 =	sadd.s32 $0x8F2B, s0  }
0x3b: {  	[sflag:s0] =	ssyncadd.remote.s32 $0x1  }
0x3c: {  	_ =	sfence.sel $0xFFFF  }
0x3d: {  	[dreg:$0x0] =	wrdreg $0xFFFFFFFF;
	(pc) =	sbr.abs _section_cstart, $3  }
0x3e: {  	[dreg:$0x1] =	wrdreg $0xFFFFFFFF  }
0x3f: {  	_ =	task.clear_ibuf [dreg:s7], $0x2FFFF;
	_ =	strace $0x9FFFFFFF  }
0x40: {  	(tm) =	ssettm $0x7FFFFFFF  }
0x41: {  	_ =	shalt  }
tec
execute0_lowered:
.L_overlay_start_1:
0x0: {  	(tag) =	ssettag $0x1  }
0x1: {  	s0 =	stileid.u32  }
0x2: {  	s2 =	srdreg.scid;
	s7 =	rddreg [dreg:$0x0]  }
0x3: {  	s6 =	simm.s32 $0x1;
	s31 =	simm.s32 $0x2;
	s16 =	simm.s32 $0x0  }
0x4: {  	s9 =	simm.s32 $0x2000;
	s15 =	simm.s32 $0x0;
	s10 =	simm.s32 $0x0  }
0x5: {  	s11 =	simm.s32 $0x0;
	s14 =	simm.s32 $0x0;
	s1 =	sshll.u32 s0, $0x7  }
0x6: {  	s3 =	sshll.u32 s0, $0x4;
	s2 =	sshll.u32 s2, $0x8;
	s1 =	sand.u32 $0x380, s1  }
0x7: {  	s7 =	sadd.s32 $0xDC3800, s7;
	s2 =	sor.u32 s3, s2;
	s5 =	ssub.s32 $0x400, s1  }
0x8: {  	s3 =	rddreg [dreg:$0x1];
	s4 =	sand.u32 $0x180, s2;
	s29 =	sand.u32 $0x380, s5  }
0x9: {  	s30 =	ssub.s32 $0x18680, s4;
	s5 =	sshrl.u32 s5, $0xA;
	p0 =	sne.s32 s29, $0x0  }
.Ltmp0:
0xa: {  	s8 =	sshrl.u32 s30, $0x9;
	s6 =	simm.s32 @!p0 $0x0;
	(pc) =	sbr.rel .LBB1_1-.Ltmp0, $4  }
0xb: {  	s2 =	rddreg [dreg:$0x2];
	s8 =	sadd.s32 $0x1, s8;
	s6 =	sadd.s32 s6, s5  }
0xc: {  	_ =	strace $0x80000047;
	s5 =	simm.s32 $0x1;
	s6 =	smul.u32 s6, s8  }
0xd: {  	s13 =	smov.u32 s1;
	s12 =	smov.u32 s4;
	[sflag:s5] =	ssyncpa.u1 $0x0  }
0xe: {  	p0 =	por $0x0, $0x0;
	[sflag:s31] =	ssyncpa.u1 $0x0;
	s8 =	sadd.s32 $0x1, s6  }
.LBB1_4:
0xf: {  	s21 =	sshra.s32 s21, $0x2;
	s27 =	sshll.u32 s10, $0xA;
	s22 =	sshll.u32 s11, $0x3  }
0x10: {  	s23 =	sshll.u32 s10, $0x7;
	s24 =	sand.u32 $0x78, s11;
	p1 =	sgt.s32 s10, $0x18620  }
0x11: {  	s25 =	sshra.s32 s10, $0x1F;
	s26 =	sshra.s32 s11, $0x1F;
	s20 =	sadd.s32 s21, s20  }
0x12: {  	v5 =	vld [tilespmem:s18+$0xFFFFFFD0];
	[tilespmem:s19+$0x2040 ss:$0x81] =	vst.msk $0xffff, v4;
	s21 =	sand.u32 $0xFFFFE000, s27;
	s22 =	sand.u32 $0xFFFFFC00, s22;
	s28 =	sand.u32 $0x380, s23  }
0x13: {  	v58 =	vld [tilespmem:s18+$0xFFFFFFE0];
	[tilespmem:s19+$0x2850 ss:$0x81] =	vst.msk $0xffff, v3;
	s23 =	smov.u32 s10;
	s30 =	sand.u32 s25, s10;
	s25 =	smov.u32 s11  }
0x14: {  	v59 =	vld [tilespmem:s18+$0xFFFFFFF0];
	[tilespmem:s19+$0x3060 ss:$0x81] =	vst.msk $0xffff, v2;
	s31 =	sand.u32 s26, s11;
	s21 =	sadd.s32 s22, s21;
	s22 =	sor.u32 s24, s28  }
0x15: {  	v60 =	vld [tilespmem:s18+$0x0];
	[tilespmem:s19+$0x0 ss:$0x81] =	vst.msk $0xffff, v1;
	s23 =	simm.s32 @!p1 $0x18620;
	p1 =	sgt.s32 s11, $0x380;
	s21 =	sshrl.u32 s21, $0xA  }
0x16: {  	v61 =	vld [tilespmem:s18+$0x10];
	[tilespmem:s20+$0x3870 ss:$0x81] =	vst.msk $0xffff, v0;
	s19 =	ssub.s32 s23, s30;
	s25 =	simm.s32 @!p1 $0x380;
	s29 =	smulhi.u32 $0x53E2D7, s21  }
0x17: {  	v62 =	vld [tilespmem:s18+$0x20];
	s23 =	ssub.s32 s25, s31;
	s26 =	sadd.s32 $0xFFFE79E0, s19;
	s19 =	ssub.s32 $0x186A0, s19;
	[tilespmem:s20+$0x810 ss:$0x81] =	vst.msk $0xffff, v5  }
0x18: {  	v63 =	vld [tilespmem:s18+$0xFFFFFFC0];
	[tilespmem:s20+$0x1020 ss:$0x81] =	vst.msk $0xffff, v58;
	p1 =	sgt.s32 s26, $0x7F;
	s28 =	sadd.s32 $0xFFFFFC80, s23;
	s24 =	sshrl.u32 s29, $0x7  }
0x19: {  	[tilespmem:s20+$0x1830 ss:$0x81] =	vst.msk $0xffff, v59;
	s23 =	ssub.s32 $0x400, s23;
	p2 =	sgt.s32 s28, $0x7F;
	s27 =	smul.u32 $0x186A0, s24  }
0x1a: {  	s30 =	sand.u32 $0x7, s11;
	[tilespmem:s20+$0x2040 ss:$0x81] =	vst.msk $0xffff, v60;
	s19 =	simm.s32 @p1 $0x0;
	s23 =	simm.s32 @p2 $0x0  }
0x1b: {  	[tilespmem:s20+$0x2850 ss:$0x81] =	vst.msk $0xffff, v61;
	s29 =	sshrl.u32 s22, $0x3;
	s19 =	smul.u32 s23, s19;
	s18 =	ssub.s32 s21, s27  }
0x1c: {  	[tilespmem:s20+$0x3060 ss:$0x81] =	vst.msk $0xffff, v62;
	s22 =	sshll.u32 s30, $0x12;
	s21 =	sadd.s32 s3, s29;
	s18 =	sshll.u32 s18, $0x7  }
0x1d: {  	[tilespmem:s20+$0x0 ss:$0x81] =	vst.msk $0xffff, v63;
	s31 =	sor.u32 $0x400, s22;
	s19 =	sand.u32 $0x3FFFFFFF, s19;
	s18 =	sadd.s32 s18, s21  }
0x1e: {  	[hbm4b:s18+s31] =	stream.strided.scatter [tilespmem:s17], [sflag:$0x2], s19, s9, s31, $0x20;
	[tilespmem:$0x10100] =	vst v63  }
.LBB1_5:
0x1f: {  	p1 =	slt.u32 s14, $0x2  }
0x20: {  	s18 =	smov.u32 s16;
	p2 =	sgt.s32 @!p1 s16, $0x18620;
	s17 =	sshra.s32 @!p1 s16, $0x1F  }
0x21: {  	p3 =	sgt.s32 @!p1 s15, $0x380;
	s19 =	sshra.s32 @!p1 s15, $0x1F;
	p2 =	por !p2, p1  }
0x22: {  	s16 =	sand.u32 @!p1 s17, s16;
	p3 =	por !p3, p1;
	s17 =	smov.u32 s15  }
0x23: {  	s15 =	sand.u32 @!p1 s19, s15;
	s18 =	simm.s32 @p2 $0x18620;
	s17 =	simm.s32 @p3 $0x380  }
0x24: {  	s16 =	ssub.s32 @!p1 s18, s16;
	s15 =	ssub.s32 @!p1 s17, s15  }
0x25: {  	s19 =	smov.u32 s13;
	s17 =	sadd.s32 @!p1 $0xFFFE79E0, s16;
	s18 =	sadd.s32 @!p1 $0xFFFFFC80, s15  }
0x26: {  	s16 =	ssub.s32 @!p1 $0x186A0, s16;
	p2 =	sgt.s32 @!p1 s17, $0x7F;
	p3 =	sgt.s32 @!p1 s18, $0x7F  }
0x27: {  	s15 =	ssub.s32 @!p1 $0x400, s15;
	p2 =	por !p2, p1;
	p3 =	por !p3, p1  }
0x28: {  	s17 =	sadd.s32 $0x200, s12;
	s16 =	simm.s32 @!p2 $0x0;
	s15 =	simm.s32 @!p3 $0x0  }
0x29: {  	p2 =	sgt.s32 s17, $0x1869F;
	s15 =	smul.u32 @!p1 s15, s16;
	s16 =	sadd.s32 $0x400, s13  }
0x2a: {  	s19 =	smov.u32 @p2 s16  }
0x2b: {  	s17 =	smov.u32 @p2 s4;
	p2 =	sgt.s32 s19, $0x3FF  }
0x2c: {  	s19 =	smov.u32 @p2 s1;
	p2 =	sne.s32 s14, s8  }
.Ltmp1:
0x2d: {  	p0 =	por !p0, !p0;
	s18 =	simm.s32 @!p1 $0x2;
	(pc) =	sbr.rel @!p2 .LBB1_6-.Ltmp1, $4  }
0x2e: {  	s16 =	smov.u32 s10;
	s10 =	smov.u32 s12;
	s15 =	sand.u32 @!p1 $0x3FFFFFFF, s15  }
0x2f: {  	s12 =	smov.u32 s17;
	_ =	swait.ge @!p1 [sflag:s18], s15;
	s20 =	ssub.s32 @!p1 $0x0, s15  }
0x30: {  	s15 =	smov.u32 s11;
	s14 =	sadd.s32 $0x1, s14;
	[sflag:s18] =	ssyncset.done @!p1 $0x0  }
0x31: {  	s11 =	smov.u32 s13;
	s13 =	smov.u32 s19;
	[sflag:s18] =	ssyncadd.s32 @!p1 s20  }
.LBB1_1:
0x32: {  	p1 =	sge.u32 s14, s6  }
0x33: {  	s17 =	sshrl.u32 @!p1 s13, $0x3  }
0x34: {  	s18 =	sshll.u32 @!p1 s12, $0x3;
	s17 =	smul.u32 @!p1 $0xC3800, s17  }
0x35: {  	s19 =	sshll.u32 @!p1 s13, $0x7;
	s18 =	sand.u32 @!p1 $0xFFFFFC00, s18  }
0x36: {  	s17 =	sadd.s32 @!p1 s17, s18;
	s18 =	sand.u32 @!p1 $0x380, s19  }
0x37: {  	s19 =	sand.u32 @!p1 $0x7F, s12;
	s17 =	sor.u32 @!p1 s18, s17  }
0x38: {  	s18 =	sor.u32 @!p1 s19, s17  }
0x39: {  	s19 =	smulhi.u32 @!p1 $0xA79C7B17, s18;
	_ =	sdelay $0x1  }
0x3a: {  	s17 =	smulhi.u32 @!p1 $0xA79C7B17, s17;
	s19 =	sshrl.u32 @!p1 s19, $0x10  }
0x3b: {  	s19 =	smul.u32 @!p1 $0x18700, s19  }
0x3c: {  	s31 =	sadd.s32 $0xFFFFFFFF, s14;
	s20 =	sxor.u32 @!p1 $0xFFFFFFFF, s14;
	s17 =	sshrl.u32 @!p1 s17, $0x10  }
0x3d: {  	s20 =	sshll.u32 @!p1 s20, $0xE;
	s17 =	sand.u32 @!p1 $0x3FF, s17;
	s18 =	ssub.s32 @!p1 s18, s19  }
0x3e: {  	s17 =	smul.u32 @!p1 $0x30E0, s17;
	s19 =	sshrl.u32 @!p1 s18, $0x3;
	s18 =	sand.u32 @!p1 $0x7, s18  }
0x3f: {  	s20 =	sand.u32 @!p1 $0x4000, s20;
	s19 =	sadd.s32 @!p1 s7, s19;
	s18 =	sshll.u32 @!p1 s18, $0x12  }
0x40: {  	s17 =	sadd.s32 @!p1 s17, s19;
	s18 =	sor.u32 @!p1 $0x400, s18;
	s19 =	simm.s32 @!p1 $0xC3800  }
0x41: {  	[tilespmem:s20], [sflag:$0x1] =	stream.strided.gather @!p1 [hbm4b:s17+s18], $0x4000, s19, s18, $0x38;
	[tilespmem:$0x10100] =	vst v63  }
0x42: {  	p1 =	sge.u32 s31, s6  }
.Ltmp2:
0x43: {  	_ = 	snop;
	(pc) =	sbr.rel @p1 .LBB1_5-.Ltmp2, $1  }
0x44: {  	_ =	sdelay $0x3  }
0x45: {  	s17 =	simm.s32 $0x1  }
0x46: {  	_ =	swait.ge [sflag:s5], $0x4000;
	s17 =	simm.s32 @!p0 $0x0  }
0x47: {  	[sflag:s5] =	ssyncset.done $0x0;
	s18 =	sshll.u32 s17, $0xE  }
0x48: {  	[sflag:s5] =	ssyncadd.s32 $0xFFFFC000;
	s18 =	sor.u32 $0x40, s18  }
0x49: {  	s17 =	smul.u32 $0x10200, s17;
	v0 =	vld [tilespmem:s18+$0x30]  }
0x4a: {  	v1 =	vld [tilespmem:s18+$0xFFFFFFD0]  }
0x4b: {  	s17 =	sshrl.u32 s17, $0x2;
	v5 =	vld [tilespmem:s18+$0xFFFFFFE0]  }
0x4c: {  	v6 =	vld [tilespmem:s18+$0xFFFFFFF0];
	s20 =	sor.u32 $0x8000, s17  }
0x4d: {  	s31 =	sand.u32 $0x1, s14;
	v4 =	vld [tilespmem:s18+$0x0];
	s19 =	sadd.s32 $0x0, s20  }
0x4e: {  	v3 =	vld [tilespmem:s18+$0x10];
	s17 =	smul.u32 $0x10200, s31;
	[tilespmem:s19+$0x3870 ss:$0x81] =	vst.msk $0xffff, v0  }
0x4f: {  	v2 =	vld [tilespmem:s18+$0x20];
	[tilespmem:s19+$0x810 ss:$0x81] =	vst.msk $0xffff, v1  }
0x50: {  	s17 =	sshrl.u32 s17, $0x2;
	v1 =	vld [tilespmem:s18+$0xFFFFFFC0];
	[tilespmem:s19+$0x1020 ss:$0x81] =	vst.msk $0xffff, v5;
	s18 =	sadd.s32 $0x80, s18  }
0x51: {  	s21 =	simm.s32 $0x4;
	s22 =	simm.s32 $0x8;
	s17 =	sor.u32 $0x8000, s17;
	[tilespmem:s19+$0x1830 ss:$0x81] =	vst.msk $0xffff, v6;
	v0 =	vld [tilespmem:s18+$0x30]  }
.LBB1_3:
0x52: {  	p1 =	sne.s32 s22, $0x1FC;
	v5 =	vld [tilespmem:s18+$0xFFFFFFD0];
	[tilespmem:s19+$0x2040 ss:$0x81] =	vst.msk $0xffff, v4  }
0x53: {  	v6 =	vld [tilespmem:s18+$0xFFFFFFE0];
	[tilespmem:s19+$0x2850 ss:$0x81] =	vst.msk $0xffff, v3  }
0x54: {  	s23 =	sshra.s32 s21, $0x2;
	s21 =	smov.u32 s22;
	v7 =	vld [tilespmem:s18+$0xFFFFFFF0];
	[tilespmem:s19+$0x3060 ss:$0x81] =	vst.msk $0xffff, v2  }
.Ltmp3:
0x55: {  	v4 =	vld [tilespmem:s18+$0x0];
	[tilespmem:s19+$0x0 ss:$0x81] =	vst.msk $0xffff, v1;
	s19 =	sadd.s32 s23, s20;
	(pc) =	sbr.rel @p1 .LBB1_3-.Ltmp3, $4  }
0x56: {  	v3 =	vld [tilespmem:s18+$0x10];
	[tilespmem:s19+$0x3870 ss:$0x81] =	vst.msk $0xffff, v0  }
0x57: {  	[tilespmem:s19+$0x810 ss:$0x81] =	vst.msk $0xffff, v5;
	v2 =	vld [tilespmem:s18+$0x20]  }
0x58: {  	v1 =	vld [tilespmem:s18+$0xFFFFFFC0];
	[tilespmem:s19+$0x1020 ss:$0x81] =	vst.msk $0xffff, v6;
	s18 =	sadd.s32 $0x80, s18  }
0x59: {  	s22 =	sadd.s32 $0x4, s22;
	v0 =	vld [tilespmem:s18+$0x30];
	[tilespmem:s19+$0x1830 ss:$0x81] =	vst.msk $0xffff, v7  }
.Ltmp4:
0x5a: {  	_ = 	snop;
	(pc) =	sbr.rel .LBB1_4-.Ltmp4, $1  }
0x5b: {  	_ =	sdelay $0x3  }
.LBB1_6:
0x5c: {  	_ =	sfence.sel $0x180000  }
0x5d: {  	s1 =	simm.s32 $0x1;
	[bflag:$0x0] =	sbarrier.arrive $0xFFFF  }
0x5e: {  	s31 =	simm.s32 $0x2;
	[sflag:s1] =	ssyncpa.u1 $0x1  }
0x5f: {  	[sflag:s31] =	ssyncpa.u1 $0x1  }
0x60: {  	p0 =	sne.s32 s0, $0x0;
	_ =	strace $0x90000047  }
0x61: {  	s0 =	sadd.s32 @!p0 $0x100000, s2;
	[bflag:$0x2] =	sbarrier.arrive $0xFFFF  }
0x62: {  	[sflag:s0] =	ssyncadd.tile.s32 @!p0 $0x1;
	_ =	shalt  }
.Lfunc_end1:
_tile_overlayer_lowered:
.L_overlay_start_2:
0x63: {  	(tag) =	ssettag $0x2  }
0x64: {  	s0 =	rddreg [dreg:$0x0];
	s2 =	stileid.u32  }
0x65: {  	s1 =	rddreg [dreg:$0x1];
	p0 =	sne.s32 s2, $0x0  }
0x66: {  	s3 =	rddreg [dreg:$0x2];
	[bflag:$0x3] =	sbarrier.arrive $0xFFFF;
	s2 =	simm.s32 @!p0 $0x1C01  }
0x67: {  	[timem:s3], [sflag:s2] =	dma.local @!p0 [hbm:s0], s1  }
0x68: {  	s0 =	simm.s32 @!p0 $0x1  }
0x69: {  	_ =	swait.ge @!p0 [sflag:s0], s1  }
0x6a: {  	s1 =	ssub.s32 @!p0 $0x0, s1;
	[sflag:s0] =	ssyncset.done @!p0 $0x0  }
0x6b: {  	[sflag:s0] =	ssyncadd.s32 @!p0 s1  }
0x6c: {  	[bflag:$0x3] =	sbarrier.arrive $0xFFFF  }
0x6d: {  	_ =	shalt  }

</sc_bundles>
